<compile_context>
chip_gen: v7x
topology: tpu7x:2x2x1
jax: 0.10.2.dev20260603
libtpu: 0.0.44.dev20260713+nightly
codegen_flags: <defaults>
</compile_context>

<pallas_src>
import functools

import jax
import jax.numpy as jnp
from jax import lax
from jax.experimental import pallas as pl
from jax.experimental.pallas import tpu as pltpu
from jax.experimental.pallas import tpu_sc as plsc

_N = 32768
_D = 768
_H = 64
_T = 64
_O = 64
_BLK = 2048


def _bias_gather_sc(headb, ti):
    info = plsc.get_sparse_core_info()
    nw = info.num_cores * info.num_subcores
    b_per_w = _N // nw
    mesh = plsc.VectorSubcoreMesh(core_axis_name="c", subcore_axis_name="s")

    @functools.partial(
        pl.kernel, mesh=mesh,
        out_type=jax.ShapeDtypeStruct((_N, _O), jnp.float32),
        scratch_types=[
            pltpu.VMEM((b_per_w,), jnp.int32),
            pltpu.VMEM((b_per_w, _O), jnp.float32),
            pltpu.SemaphoreType.DMA,
        ],
        compiler_params=pltpu.CompilerParams(use_tc_tiling_on_sc=False),
    )
    def k(table_hbm, idx_hbm, out_hbm, idx_v, rows_v, sem):
        wid = lax.axis_index("s") * info.num_cores + lax.axis_index("c")
        base = wid * b_per_w
        pltpu.sync_copy(idx_hbm.at[pl.ds(base, b_per_w)], idx_v)
        pltpu.async_copy(table_hbm.at[idx_v], rows_v, sem).wait()
        pltpu.sync_copy(rows_v, out_hbm.at[pl.ds(base, b_per_w)])

    return k(headb, ti)


def _trunk_head_kernel(x_ref, ti_ref, W1_ref, b1_ref, W2_ref, b2_ref,
                       W3_ref, b3_ref, W2d_ref, bt_ref, out_ref):
    x = x_ref[...].astype(jnp.bfloat16)
    h = jnp.tanh(jnp.dot(x, W1_ref[...], preferred_element_type=jnp.float32)
                 + b1_ref[...]).astype(jnp.bfloat16)
    h = jnp.tanh(jnp.dot(h, W2_ref[...], preferred_element_type=jnp.float32)
                 + b2_ref[...]).astype(jnp.bfloat16)
    h = jnp.tanh(jnp.dot(h, W3_ref[...], preferred_element_type=jnp.float32)
                 + b3_ref[...]).astype(jnp.bfloat16)
    ti = ti_ref[0, 0, :].reshape(_BLK, 1)
    grp = jax.lax.broadcasted_iota(jnp.int32, (_BLK, 8 * _H), 1) // _H
    h8 = jnp.concatenate([h] * 8, axis=1)
    hb8 = jnp.where(grp == ti % 8, h8, jnp.bfloat16(0))
    z = jnp.dot(hb8, W2d_ref[...], preferred_element_type=jnp.float32)
    z = jnp.where(grp == ti // 8, z, 0.0)
    w = (8 * _O) // 2
    while w >= _O:
        z = z[:, :w] + z[:, w:]
        w //= 2
    out_ref[...] = z + bt_ref[...]


def kernel(inputs, task_indices, W1, b1, W2, b2, W3, b3, headW, headb):
    n_blocks = _N // _BLK
    ti32 = task_indices.astype(jnp.int32)
    ti3 = ti32.reshape(n_blocks, 1, _BLK)
    bt = _bias_gather_sc(headb, ti32)
    W1 = W1.astype(jnp.bfloat16)
    W2 = W2.astype(jnp.bfloat16)
    W3 = W3.astype(jnp.bfloat16)
    W2d = (headW.reshape(8, 8, _H, _O).transpose(1, 2, 0, 3)
           .reshape(8 * _H, 8 * _O).astype(jnp.bfloat16))
    b1r = b1.reshape(1, _H)
    b2r = b2.reshape(1, _H)
    b3r = b3.reshape(1, _H)

    grid = (n_blocks,)
    out = pl.pallas_call(
        _trunk_head_kernel,
        grid=grid,
        in_specs=[
            pl.BlockSpec((_BLK, _D), lambda i: (i, 0)),
            pl.BlockSpec((1, 1, _BLK), lambda i: (i, 0, 0)),
            pl.BlockSpec((_D, _H), lambda i: (0, 0)),
            pl.BlockSpec((1, _H), lambda i: (0, 0)),
            pl.BlockSpec((_H, _H), lambda i: (0, 0)),
            pl.BlockSpec((1, _H), lambda i: (0, 0)),
            pl.BlockSpec((_H, _H), lambda i: (0, 0)),
            pl.BlockSpec((1, _H), lambda i: (0, 0)),
            pl.BlockSpec((8 * _H, 8 * _O), lambda i: (0, 0)),
            pl.BlockSpec((_BLK, _O), lambda i: (i, 0)),
        ],
        out_specs=pl.BlockSpec((_BLK, _O), lambda i: (i, 0)),
        out_shape=jax.ShapeDtypeStruct((_N, _O), jnp.float32),
        compiler_params=pltpu.CompilerParams(
            dimension_semantics=("parallel",)),
    )(inputs, ti3, W1, b1r, W2, b2r, W3, b3r, W2d, bt)
    return out

# --- scband reference (transcript-rebuilt; emitter-appended) ---
"""Pipeline reference for scband-multi-task-trunk-network-90658169684214 (READ-ONLY COPY).

The authoritative reference and input builder live on the scoring server;
editing this copy changes nothing except your own understanding.
"""

import jax, jax.numpy as jnp
import numpy as np

N = 32768
D = 768
H = 64
T = 64
O = 64

def setup_inputs(seed: int = 0) -> dict:
    key = jax.random.key(seed)
    ks = jax.random.split(key, 12)
    inputs = jax.random.normal(ks[0], (N, D), dtype=jnp.float32)
    task_indices = jax.random.randint(ks[1], (N,), 0, T, dtype=jnp.int64 if jax.config.jax_enable_x64 else jnp.int32)
    W1 = jax.random.normal(ks[2], (D, H), dtype=jnp.float32) * 0.02
    b1 = jnp.zeros((H,), dtype=jnp.float32)
    W2 = jax.random.normal(ks[3], (H, H), dtype=jnp.float32) * 0.02
    b2 = jnp.zeros((H,), dtype=jnp.float32)
    W3 = jax.random.normal(ks[4], (H, H), dtype=jnp.float32) * 0.02
    b3 = jnp.zeros((H,), dtype=jnp.float32)
    headW = jax.random.normal(ks[5], (T, H, O), dtype=jnp.float32) * 0.02
    headb = jnp.zeros((T, O), dtype=jnp.float32)
    return {"inputs": inputs, "task_indices": task_indices,
            "W1": W1, "b1": b1, "W2": W2, "b2": b2, "W3": W3, "b3": b3,
            "headW": headW, "headb": headb}

def reference(inputs, task_indices, W1, b1, W2, b2, W3, b3, headW, headb):
    # shared trunk: num_shared_layers=3 Linear+Tanh blocks
    h = jnp.tanh(inputs @ W1 + b1)
    h = jnp.tanh(h @ W2 + b2)
    h = jnp.tanh(h @ W3 + b3)
    # per-task heads (num_task_layers=1 -> single final Linear, no activation).
    # The torch code partitions tokens by task, applies each head, then re-stacks
    # in original token order. That is mathematically identical to gathering each
    # token's head weight and applying it in place.
    Wt = jnp.take(headW, task_indices, axis=0)   # [N, H, O] gather (SparseCore)
    bt = jnp.take(headb, task_indices, axis=0)   # [N, O]
    outputs = jnp.einsum('nh,nho->no', h, Wt) + bt
    return outputs

if __name__ == "__main__":
    import jax
    _d = setup_inputs()
    print(jax.jit(kernel)(*tuple(_d.values())))

</pallas_src>

<mosaic_0001>
#map = affine_map<(d0, d1) -> (0, 0)>
#map1 = affine_map<(d0, d1) -> (0)>
module attributes {stable_mosaic.version = 14 : i64} {
  func.func @k(%arg0: i32, %arg1: i32, %arg2: memref<64x64xf32, #tpu.memory_space<hbm>>, %arg3: memref<32768xi32, #tpu.memory_space<hbm>>, %arg4: memref<32768x64xf32, #tpu.memory_space<hbm>>, %arg5: memref<1024xi32, #tpu.memory_space<vmem>>, %arg6: memref<1024x64xf32, #tpu.memory_space<vmem>>, %arg7: memref<!tpu.dma_semaphore, #tpu.memory_space<semaphore_mem>>) attributes {dimension_semantics = [#tpu.dimension_semantics<core_parallel>, #tpu.dimension_semantics<subcore_parallel>], iteration_bounds = array<i64: 2, 16>, scalar_prefetch = 0 : i64, scratch_operands = 3 : i64, tpu.core_type = #tpu.core_type<sc_vector_subcore>, window_params = [{transform_indices = #map}, {transform_indices = #map1}, {transform_indices = #map}]} {
    %mul3A = arith.constant 2 : i32
    %mul3A_0 = arith.muli %arg1, %mul3A : i32
    %add3A = arith.addi %mul3A_0, %arg0 : i32
    %mul3A_1 = arith.constant 1024 : i32
    %mul3A_2 = arith.muli %add3A, %mul3A_1 : i32
    "tpu.region"() ({
      %run_scoped3A = tpu.sem_alloc : memref<!tpu.dma_semaphore, #tpu.memory_space<semaphore_mem>>
      %dma_start3A_7 = tpu.memref_slice %arg3[%mul3A_2] : memref<32768xi32, #tpu.memory_space<hbm>> -> memref<1024xi32, #tpu.memory_space<hbm>>
      %dma_start3A_8 = tpu.memref_slice %arg3[%mul3A_2] : memref<32768xi32, #tpu.memory_space<hbm>> -> memref<1024xi32, #tpu.memory_space<hbm>>
      tpu.enqueue_dma source(%dma_start3A_8 : memref<1024xi32, #tpu.memory_space<hbm>>) target(%arg5 : memref<1024xi32, #tpu.memory_space<vmem>>) target_semaphore(%run_scoped3A : memref<!tpu.dma_semaphore, #tpu.memory_space<semaphore_mem>>)
      %dma_wait3A_9 = tpu.memref_slice %arg3[%mul3A_2] : memref<32768xi32, #tpu.memory_space<hbm>> -> memref<1024xi32, #tpu.memory_space<hbm>>
      %dma_wait3A_10 = tpu.memref_slice %arg3[%mul3A_2] : memref<32768xi32, #tpu.memory_space<hbm>> -> memref<1024xi32, #tpu.memory_space<hbm>>
      tpu.wait_dma2 semaphore(%run_scoped3A : memref<!tpu.dma_semaphore, #tpu.memory_space<semaphore_mem>>) src(%dma_wait3A_10 : memref<1024xi32, #tpu.memory_space<hbm>>) dst(%arg5 : memref<1024xi32, #tpu.memory_space<vmem>>)
      tpu.yield
    }) : () -> ()
    %dma_start3A = arith.constant 0 : i32
    %dma_start3A_3 = arith.constant 0 : i32
    %dma_start3A_4 = tpu.memref_slice %arg2[%dma_start3A, %dma_start3A_3] : memref<64x64xf32, #tpu.memory_space<hbm>> -> memref<64x64xf32, #tpu.memory_space<hbm>>
    tpu.enqueue_indirect_dma source(%dma_start3A_4 : memref<64x64xf32, #tpu.memory_space<hbm>>) target(%arg6 : memref<1024x64xf32, #tpu.memory_space<vmem>>) offsets(%arg5 : memref<1024xi32, #tpu.memory_space<vmem>>) semaphore(%arg7 : memref<!tpu.dma_semaphore, #tpu.memory_space<semaphore_mem>>)
    %dma_wait3A = arith.constant 0 : i32
    %dma_wait3A_5 = arith.constant 0 : i32
    %dma_wait3A_6 = tpu.memref_slice %arg2[%dma_wait3A, %dma_wait3A_5] : memref<64x64xf32, #tpu.memory_space<hbm>> -> memref<64x64xf32, #tpu.memory_space<hbm>>
    tpu.wait_indirect_dma semaphore(%arg7 : memref<!tpu.dma_semaphore, #tpu.memory_space<semaphore_mem>>) src(%dma_wait3A_6 : memref<64x64xf32, #tpu.memory_space<hbm>>) dst(%arg6 : memref<1024x64xf32, #tpu.memory_space<vmem>>)
    "tpu.region"() ({
      %run_scoped3A = tpu.sem_alloc : memref<!tpu.dma_semaphore, #tpu.memory_space<semaphore_mem>>
      %dma_start3A_7 = arith.constant 0 : i32
      %dma_start3A_8 = tpu.memref_slice %arg4[%mul3A_2, %dma_start3A_7] : memref<32768x64xf32, #tpu.memory_space<hbm>> -> memref<1024x64xf32, #tpu.memory_space<hbm>>
      %dma_start3A_9 = arith.constant 0 : i32
      %dma_start3A_10 = tpu.memref_slice %arg4[%mul3A_2, %dma_start3A_9] : memref<32768x64xf32, #tpu.memory_space<hbm>> -> memref<1024x64xf32, #tpu.memory_space<hbm>>
      tpu.enqueue_dma source(%arg6 : memref<1024x64xf32, #tpu.memory_space<vmem>>) target(%dma_start3A_10 : memref<1024x64xf32, #tpu.memory_space<hbm>>) target_semaphore(%run_scoped3A : memref<!tpu.dma_semaphore, #tpu.memory_space<semaphore_mem>>)
      %dma_wait3A_11 = arith.constant 0 : i32
      %dma_wait3A_12 = tpu.memref_slice %arg4[%mul3A_2, %dma_wait3A_11] : memref<32768x64xf32, #tpu.memory_space<hbm>> -> memref<1024x64xf32, #tpu.memory_space<hbm>>
      %dma_wait3A_13 = arith.constant 0 : i32
      %dma_wait3A_14 = tpu.memref_slice %arg4[%mul3A_2, %dma_wait3A_13] : memref<32768x64xf32, #tpu.memory_space<hbm>> -> memref<1024x64xf32, #tpu.memory_space<hbm>>
      tpu.wait_dma2 semaphore(%run_scoped3A : memref<!tpu.dma_semaphore, #tpu.memory_space<semaphore_mem>>) src(%arg6 : memref<1024x64xf32, #tpu.memory_space<vmem>>) dst(%dma_wait3A_14 : memref<1024x64xf32, #tpu.memory_space<hbm>>)
      tpu.yield
    }) : () -> ()
    return
  }
}

module attributes {stable_mosaic.version = 14 : i64} {
  func.func @_trunk_head_kernel(%arg0: i32, %arg1: memref<2048x768xf32, #tpu.memory_space<vmem>>, %arg2: memref<1x1x2048xi32, #tpu.memory_space<vmem>>, %arg3: memref<768x64xbf16, #tpu.memory_space<vmem>>, %arg4: memref<1x64xf32, #tpu.memory_space<vmem>>, %arg5: memref<64x64xbf16, #tpu.memory_space<vmem>>, %arg6: memref<1x64xf32, #tpu.memory_space<vmem>>, %arg7: memref<64x64xbf16, #tpu.memory_space<vmem>>, %arg8: memref<1x64xf32, #tpu.memory_space<vmem>>, %arg9: memref<512x512xbf16, #tpu.memory_space<vmem>>, %arg10: memref<2048x64xf32, #tpu.memory_space<vmem>>, %arg11: memref<2048x64xf32, #tpu.memory_space<vmem>>) attributes {dimension_semantics = [#tpu.dimension_semantics<parallel>], iteration_bounds = array<i64: 16>, scalar_prefetch = 0 : i64, scratch_operands = 0 : i64, tpu.core_type = #tpu.core_type<tc>, window_params = [{transform_indices = @transform_0, window_bounds = array<i64: 2048, 768>}, {transform_indices = @transform_1, window_bounds = array<i64: 1, 1, 2048>}, {pipeline_mode = #tpu.pipeline_mode<synchronous>, transform_indices = @transform_2, window_bounds = array<i64: 768, 64>}, {pipeline_mode = #tpu.pipeline_mode<synchronous>, transform_indices = @transform_3, window_bounds = array<i64: 1, 64>}, {pipeline_mode = #tpu.pipeline_mode<synchronous>, transform_indices = @transform_4, window_bounds = array<i64: 64, 64>}, {pipeline_mode = #tpu.pipeline_mode<synchronous>, transform_indices = @transform_5, window_bounds = array<i64: 1, 64>}, {pipeline_mode = #tpu.pipeline_mode<synchronous>, transform_indices = @transform_6, window_bounds = array<i64: 64, 64>}, {pipeline_mode = #tpu.pipeline_mode<synchronous>, transform_indices = @transform_7, window_bounds = array<i64: 1, 64>}, {pipeline_mode = #tpu.pipeline_mode<synchronous>, transform_indices = @transform_8, window_bounds = array<i64: 512, 512>}, {transform_indices = @transform_9, window_bounds = array<i64: 2048, 64>}, {transform_indices = @transform_10, window_bounds = array<i64: 2048, 64>}]} {
    %get3A = arith.constant 0 : index
    %get3A_0 = arith.constant 0 : index
    %get3A_1 = vector.load %arg1[%get3A, %get3A_0] : memref<2048x768xf32, #tpu.memory_space<vmem>>, vector<2048x768xf32>
    %convert_element_type3A = arith.truncf %get3A_1 : vector<2048x768xf32> to vector<2048x768xbf16>
    %get3A_2 = arith.constant 0 : index
    %get3A_3 = arith.constant 0 : index
    %get3A_4 = vector.load %arg3[%get3A_2, %get3A_3] : memref<768x64xbf16, #tpu.memory_space<vmem>>, vector<768x64xbf16>
    %dot_general3A = arith.constant dense<0.000000e+00> : vector<2048x64xf32>
    %dot_general3A_5 = tpu.matmul %convert_element_type3A, %get3A_4, %dot_general3A {dimension_numbers = #tpu.dot_dimension_numbers<[1], [0], [0], [1], [0, 0, 1, 1], [], []>, transpose_lhs_hint = false} : vector<2048x768xbf16>, vector<768x64xbf16>, vector<2048x64xf32> -> vector<2048x64xf32>
    %get3A_6 = arith.constant 0 : index
    %get3A_7 = arith.constant 0 : index
    %get3A_8 = vector.load %arg4[%get3A_6, %get3A_7] : memref<1x64xf32, #tpu.memory_space<vmem>>, vector<1x64xf32>
    %add3A = vector.broadcast %get3A_8 : vector<1x64xf32> to vector<2048x64xf32>
    %add3A_9 = arith.addf %dot_general3A_5, %add3A : vector<2048x64xf32>
    %tanh3A = math.tanh %add3A_9 : vector<2048x64xf32>
    %convert_element_type3A_10 = arith.truncf %tanh3A : vector<2048x64xf32> to vector<2048x64xbf16>
    %get3A_11 = arith.constant 0 : index
    %get3A_12 = arith.constant 0 : index
    %get3A_13 = vector.load %arg5[%get3A_11, %get3A_12] : memref<64x64xbf16, #tpu.memory_space<vmem>>, vector<64x64xbf16>
    %dot_general3A_14 = arith.constant dense<0.000000e+00> : vector<2048x64xf32>
    %dot_general3A_15 = tpu.matmul %convert_element_type3A_10, %get3A_13, %dot_general3A_14 {dimension_numbers = #tpu.dot_dimension_numbers<[1], [0], [0], [1], [0, 0, 1, 1], [], []>, transpose_lhs_hint = false} : vector<2048x64xbf16>, vector<64x64xbf16>, vector<2048x64xf32> -> vector<2048x64xf32>
    %get3A_16 = arith.constant 0 : index
    %get3A_17 = arith.constant 0 : index
    %get3A_18 = vector.load %arg6[%get3A_16, %get3A_17] : memref<1x64xf32, #tpu.memory_space<vmem>>, vector<1x64xf32>
    %add3A_19 = vector.broadcast %get3A_18 : vector<1x64xf32> to vector<2048x64xf32>
    %add3A_20 = arith.addf %dot_general3A_15, %add3A_19 : vector<2048x64xf32>
    %tanh3A_21 = math.tanh %add3A_20 : vector<2048x64xf32>
    %convert_element_type3A_22 = arith.truncf %tanh3A_21 : vector<2048x64xf32> to vector<2048x64xbf16>
    %get3A_23 = arith.constant 0 : index
    %get3A_24 = arith.constant 0 : index
    %get3A_25 = vector.load %arg7[%get3A_23, %get3A_24] : memref<64x64xbf16, #tpu.memory_space<vmem>>, vector<64x64xbf16>
    %dot_general3A_26 = arith.constant dense<0.000000e+00> : vector<2048x64xf32>
    %dot_general3A_27 = tpu.matmul %convert_element_type3A_22, %get3A_25, %dot_general3A_26 {dimension_numbers = #tpu.dot_dimension_numbers<[1], [0], [0], [1], [0, 0, 1, 1], [], []>, transpose_lhs_hint = false} : vector<2048x64xbf16>, vector<64x64xbf16>, vector<2048x64xf32> -> vector<2048x64xf32>
    %get3A_28 = arith.constant 0 : index
    %get3A_29 = arith.constant 0 : index
    %get3A_30 = vector.load %arg8[%get3A_28, %get3A_29] : memref<1x64xf32, #tpu.memory_space<vmem>>, vector<1x64xf32>
    %add3A_31 = vector.broadcast %get3A_30 : vector<1x64xf32> to vector<2048x64xf32>
    %add3A_32 = arith.addf %dot_general3A_27, %add3A_31 : vector<2048x64xf32>
    %tanh3A_33 = math.tanh %add3A_32 : vector<2048x64xf32>
    %convert_element_type3A_34 = arith.truncf %tanh3A_33 : vector<2048x64xf32> to vector<2048x64xbf16>
    %get3A_35 = arith.constant 0 : index
    %get3A_36 = arith.constant 0 : index
    %get3A_37 = arith.constant 0 : index
    %get3A_38 = vector.load %arg2[%get3A_35, %get3A_36, %get3A_37] : memref<1x1x2048xi32, #tpu.memory_space<vmem>>, vector<1x1x2048xi32>
    %get3A_39 = vector.shape_cast %get3A_38 : vector<1x1x2048xi32> to vector<2048xi32>
    %reshape3A = vector.shape_cast %get3A_39 : vector<2048xi32> to vector<2048x1xi32>
    %iota3A = tpu.iota {dimensions = array<i32: 1>} : vector<2048x512xi32>
    %jit3A = arith.constant 64 : i32
    %div3A = vector.broadcast %jit3A : i32 to vector<2048x512xi32>
    %div3A_40 = arith.divsi %iota3A, %div3A : vector<2048x512xi32>
    %sign3A = arith.constant 0 : i32
    %sign3A_41 = vector.broadcast %sign3A : i32 to vector<2048x512xi32>
    %sign3A_42 = arith.cmpi sgt, %iota3A, %sign3A_41 : vector<2048x512xi32>
    %sign3A_43 = arith.extui %sign3A_42 : vector<2048x512xi1> to vector<2048x512xi32>
    %sign3A_44 = arith.constant 0 : i32
    %sign3A_45 = vector.broadcast %sign3A_44 : i32 to vector<2048x512xi32>
    %sign3A_46 = arith.cmpi slt, %iota3A, %sign3A_45 : vector<2048x512xi32>
    %sign3A_47 = arith.extui %sign3A_46 : vector<2048x512xi1> to vector<2048x512xi32>
    %sign3A_48 = arith.subi %sign3A_43, %sign3A_47 : vector<2048x512xi32>
    %sign3A_49 = arith.constant 0 : i32
    %sign3A_50 = arith.cmpi sgt, %jit3A, %sign3A_49 : i32
    %sign3A_51 = arith.extui %sign3A_50 : i1 to i32
    %sign3A_52 = arith.constant 0 : i32
    %sign3A_53 = arith.cmpi slt, %jit3A, %sign3A_52 : i32
    %sign3A_54 = arith.extui %sign3A_53 : i1 to i32
    %sign3A_55 = arith.subi %sign3A_51, %sign3A_54 : i32
    %ne3A = vector.broadcast %sign3A_55 : i32 to vector<2048x512xi32>
    %ne3A_56 = arith.cmpi ne, %sign3A_48, %ne3A : vector<2048x512xi32>
    %rem3A = vector.broadcast %jit3A : i32 to vector<2048x512xi32>
    %rem3A_57 = arith.remsi %iota3A, %rem3A : vector<2048x512xi32>
    %ne3A_58 = arith.constant 0 : i32
    %ne3A_59 = vector.broadcast %ne3A_58 : i32 to vector<2048x512xi32>
    %ne3A_60 = arith.cmpi ne, %rem3A_57, %ne3A_59 : vector<2048x512xi32>
    %and3A = arith.andi %ne3A_56, %ne3A_60 : vector<2048x512xi1>
    %sub3A = arith.constant 1 : i32
    %sub3A_61 = vector.broadcast %sub3A : i32 to vector<2048x512xi32>
    %sub3A_62 = arith.subi %div3A_40, %sub3A_61 : vector<2048x512xi32>
    %select_n3A = arith.select %and3A, %sub3A_62, %div3A_40 : vector<2048x512xi1>, vector<2048x512xi32>
    %concatenate3A = tpu.concatenate %convert_element_type3A_34, %convert_element_type3A_34, %convert_element_type3A_34, %convert_element_type3A_34, %convert_element_type3A_34, %convert_element_type3A_34, %convert_element_type3A_34, %convert_element_type3A_34 in 1 : vector<2048x64xbf16>, vector<2048x64xbf16>, vector<2048x64xbf16>, vector<2048x64xbf16>, vector<2048x64xbf16>, vector<2048x64xbf16>, vector<2048x64xbf16>, vector<2048x64xbf16> -> vector<2048x512xbf16>
    %jit3A_63 = arith.constant 8 : i32
    %eq3A = arith.constant 0 : i32
    %eq3A_64 = arith.cmpi eq, %jit3A_63, %eq3A : i32
    %jit3A_65 = arith.constant 1 : i32
    %select_n3A_66 = arith.select %eq3A_64, %jit3A_65, %jit3A_63 : i32
    %rem3A_67 = vector.broadcast %select_n3A_66 : i32 to vector<2048x1xi32>
    %rem3A_68 = arith.remsi %reshape3A, %rem3A_67 : vector<2048x1xi32>
    %ne3A_69 = arith.constant 0 : i32
    %ne3A_70 = vector.broadcast %ne3A_69 : i32 to vector<2048x1xi32>
    %ne3A_71 = arith.cmpi ne, %rem3A_68, %ne3A_70 : vector<2048x1xi32>
    %lt3A = arith.constant 0 : i32
    %lt3A_72 = vector.broadcast %lt3A : i32 to vector<2048x1xi32>
    %lt3A_73 = arith.cmpi slt, %rem3A_68, %lt3A_72 : vector<2048x1xi32>
    %lt3A_74 = arith.constant 0 : i32
    %lt3A_75 = arith.cmpi slt, %select_n3A_66, %lt3A_74 : i32
    %ne3A_76 = vector.broadcast %lt3A_75 : i1 to vector<2048x1xi1>
    %ne3A_77 = vector.broadcast %ne3A_76 : vector<2048x1xi1> to vector<2048x1xi1>
    %ne3A_78 = arith.xori %lt3A_73, %ne3A_77 : vector<2048x1xi1>
    %and3A_79 = arith.andi %ne3A_78, %ne3A_71 : vector<2048x1xi1>
    %add3A_80 = vector.broadcast %select_n3A_66 : i32 to vector<2048x1xi32>
    %add3A_81 = arith.addi %rem3A_68, %add3A_80 : vector<2048x1xi32>
    %select_n3A_82 = arith.select %and3A_79, %add3A_81, %rem3A_68 : vector<2048x1xi1>, vector<2048x1xi32>
    %eq3A_83 = vector.broadcast %select_n3A_82 : vector<2048x1xi32> to vector<2048x512xi32>
    %eq3A_84 = arith.cmpi eq, %select_n3A, %eq3A_83 : vector<2048x512xi32>
    %jit3A_85 = arith.constant 0.000000e+00 : bf16
    %broadcast_in_dim3A = vector.broadcast %jit3A_85 : bf16 to vector<2048x512xbf16>
    %select_n3A_86 = arith.select %eq3A_84, %concatenate3A, %broadcast_in_dim3A : vector<2048x512xi1>, vector<2048x512xbf16>
    %get3A_87 = arith.constant 0 : index
    %get3A_88 = arith.constant 0 : index
    %get3A_89 = vector.load %arg9[%get3A_87, %get3A_88] : memref<512x512xbf16, #tpu.memory_space<vmem>>, vector<512x512xbf16>
    %dot_general3A_90 = arith.constant dense<0.000000e+00> : vector<2048x512xf32>
    %dot_general3A_91 = tpu.matmul %select_n3A_86, %get3A_89, %dot_general3A_90 {dimension_numbers = #tpu.dot_dimension_numbers<[1], [0], [0], [1], [0, 0, 1, 1], [], []>, transpose_lhs_hint = false} : vector<2048x512xbf16>, vector<512x512xbf16>, vector<2048x512xf32> -> vector<2048x512xf32>
    %jit3A_92 = arith.constant 8 : i32
    %div3A_93 = vector.broadcast %jit3A_92 : i32 to vector<2048x1xi32>
    %div3A_94 = arith.divsi %reshape3A, %div3A_93 : vector<2048x1xi32>
    %sign3A_95 = arith.constant 0 : i32
    %sign3A_96 = vector.broadcast %sign3A_95 : i32 to vector<2048x1xi32>
    %sign3A_97 = arith.cmpi sgt, %reshape3A, %sign3A_96 : vector<2048x1xi32>
    %sign3A_98 = arith.extui %sign3A_97 : vector<2048x1xi1> to vector<2048x1xi32>
    %sign3A_99 = arith.constant 0 : i32
    %sign3A_100 = vector.broadcast %sign3A_99 : i32 to vector<2048x1xi32>
    %sign3A_101 = arith.cmpi slt, %reshape3A, %sign3A_100 : vector<2048x1xi32>
    %sign3A_102 = arith.extui %sign3A_101 : vector<2048x1xi1> to vector<2048x1xi32>
    %sign3A_103 = arith.subi %sign3A_98, %sign3A_102 : vector<2048x1xi32>
    %sign3A_104 = arith.constant 0 : i32
    %sign3A_105 = arith.cmpi sgt, %jit3A_92, %sign3A_104 : i32
    %sign3A_106 = arith.extui %sign3A_105 : i1 to i32
    %sign3A_107 = arith.constant 0 : i32
    %sign3A_108 = arith.cmpi slt, %jit3A_92, %sign3A_107 : i32
    %sign3A_109 = arith.extui %sign3A_108 : i1 to i32
    %sign3A_110 = arith.subi %sign3A_106, %sign3A_109 : i32
    %ne3A_111 = vector.broadcast %sign3A_110 : i32 to vector<2048x1xi32>
    %ne3A_112 = arith.cmpi ne, %sign3A_103, %ne3A_111 : vector<2048x1xi32>
    %rem3A_113 = vector.broadcast %jit3A_92 : i32 to vector<2048x1xi32>
    %rem3A_114 = arith.remsi %reshape3A, %rem3A_113 : vector<2048x1xi32>
    %ne3A_115 = arith.constant 0 : i32
    %ne3A_116 = vector.broadcast %ne3A_115 : i32 to vector<2048x1xi32>
    %ne3A_117 = arith.cmpi ne, %rem3A_114, %ne3A_116 : vector<2048x1xi32>
    %and3A_118 = arith.andi %ne3A_112, %ne3A_117 : vector<2048x1xi1>
    %sub3A_119 = arith.constant 1 : i32
    %sub3A_120 = vector.broadcast %sub3A_119 : i32 to vector<2048x1xi32>
    %sub3A_121 = arith.subi %div3A_94, %sub3A_120 : vector<2048x1xi32>
    %select_n3A_122 = arith.select %and3A_118, %sub3A_121, %div3A_94 : vector<2048x1xi1>, vector<2048x1xi32>
    %eq3A_123 = vector.broadcast %select_n3A_122 : vector<2048x1xi32> to vector<2048x512xi32>
    %eq3A_124 = arith.cmpi eq, %select_n3A, %eq3A_123 : vector<2048x512xi32>
    %jit3A_125 = arith.constant 0.000000e+00 : f32
    %broadcast_in_dim3A_126 = vector.broadcast %jit3A_125 : f32 to vector<2048x512xf32>
    %select_n3A_127 = arith.select %eq3A_124, %dot_general3A_91, %broadcast_in_dim3A_126 : vector<2048x512xi1>, vector<2048x512xf32>
    %slice3A = vector.extract_strided_slice %select_n3A_127 {offsets = [0, 0], sizes = [2048, 256], strides = [1, 1]} : vector<2048x512xf32> to vector<2048x256xf32>
    %slice3A_128 = vector.extract_strided_slice %select_n3A_127 {offsets = [0, 256], sizes = [2048, 256], strides = [1, 1]} : vector<2048x512xf32> to vector<2048x256xf32>
    %add3A_129 = arith.addf %slice3A, %slice3A_128 : vector<2048x256xf32>
    %slice3A_130 = vector.extract_strided_slice %add3A_129 {offsets = [0, 0], sizes = [2048, 128], strides = [1, 1]} : vector<2048x256xf32> to vector<2048x128xf32>
    %slice3A_131 = vector.extract_strided_slice %add3A_129 {offsets = [0, 128], sizes = [2048, 128], strides = [1, 1]} : vector<2048x256xf32> to vector<2048x128xf32>
    %add3A_132 = arith.addf %slice3A_130, %slice3A_131 : vector<2048x128xf32>
    %slice3A_133 = vector.extract_strided_slice %add3A_132 {offsets = [0, 0], sizes = [2048, 64], strides = [1, 1]} : vector<2048x128xf32> to vector<2048x64xf32>
    %slice3A_134 = vector.extract_strided_slice %add3A_132 {offsets = [0, 64], sizes = [2048, 64], strides = [1, 1]} : vector<2048x128xf32> to vector<2048x64xf32>
    %add3A_135 = arith.addf %slice3A_133, %slice3A_134 : vector<2048x64xf32>
    %get3A_136 = arith.constant 0 : index
    %get3A_137 = arith.constant 0 : index
    %get3A_138 = vector.load %arg10[%get3A_136, %get3A_137] : memref<2048x64xf32, #tpu.memory_space<vmem>>, vector<2048x64xf32>
    %add3A_139 = arith.addf %add3A_135, %get3A_138 : vector<2048x64xf32>
    %swap3A = arith.constant 0 : index
    %swap3A_140 = arith.constant 0 : index
    %swap3A_141 = vector.load %arg11[%swap3A, %swap3A_140] : memref<2048x64xf32, #tpu.memory_space<vmem>>, vector<2048x64xf32>
    tpu.vector_store %arg11[%swap3A, %swap3A_140], %add3A_139 {strides = array<i32>} : memref<2048x64xf32, #tpu.memory_space<vmem>>, vector<2048x64xf32>,
    return
  }
  func.func @transform_0(%arg0: i32) -> (i32, i32) {
    %c0_i32 = arith.constant 0 : i32
    %c0_i32_0 = arith.constant 0 : i32
    return %arg0, %c0_i32 : i32, i32
  }
  func.func @transform_1(%arg0: i32) -> (i32, i32, i32) {
    %c0_i32 = arith.constant 0 : i32
    %c0_i32_0 = arith.constant 0 : i32
    %c0_i32_1 = arith.constant 0 : i32
    return %arg0, %c0_i32, %c0_i32_0 : i32, i32, i32
  }
  func.func @transform_2(%arg0: i32) -> (i32, i32) {
    %c0_i32 = arith.constant 0 : i32
    %c0_i32_0 = arith.constant 0 : i32
    %c0_i32_1 = arith.constant 0 : i32
    return %c0_i32, %c0_i32_0 : i32, i32
  }
  func.func @transform_3(%arg0: i32) -> (i32, i32) {
    %c0_i32 = arith.constant 0 : i32
    %c0_i32_0 = arith.constant 0 : i32
    %c0_i32_1 = arith.constant 0 : i32
    return %c0_i32, %c0_i32_0 : i32, i32
  }
  func.func @transform_4(%arg0: i32) -> (i32, i32) {
    %c0_i32 = arith.constant 0 : i32
    %c0_i32_0 = arith.constant 0 : i32
    %c0_i32_1 = arith.constant 0 : i32
    return %c0_i32, %c0_i32_0 : i32, i32
  }
  func.func @transform_5(%arg0: i32) -> (i32, i32) {
    %c0_i32 = arith.constant 0 : i32
    %c0_i32_0 = arith.constant 0 : i32
    %c0_i32_1 = arith.constant 0 : i32
    return %c0_i32, %c0_i32_0 : i32, i32
  }
  func.func @transform_6(%arg0: i32) -> (i32, i32) {
    %c0_i32 = arith.constant 0 : i32
    %c0_i32_0 = arith.constant 0 : i32
    %c0_i32_1 = arith.constant 0 : i32
    return %c0_i32, %c0_i32_0 : i32, i32
  }
  func.func @transform_7(%arg0: i32) -> (i32, i32) {
    %c0_i32 = arith.constant 0 : i32
    %c0_i32_0 = arith.constant 0 : i32
    %c0_i32_1 = arith.constant 0 : i32
    return %c0_i32, %c0_i32_0 : i32, i32
  }
  func.func @transform_8(%arg0: i32) -> (i32, i32) {
    %c0_i32 = arith.constant 0 : i32
    %c0_i32_0 = arith.constant 0 : i32
    %c0_i32_1 = arith.constant 0 : i32
    return %c0_i32, %c0_i32_0 : i32, i32
  }
  func.func @transform_9(%arg0: i32) -> (i32, i32) {
    %c0_i32 = arith.constant 0 : i32
    %c0_i32_0 = arith.constant 0 : i32
    return %arg0, %c0_i32 : i32, i32
  }
  func.func @transform_10(%arg0: i32) -> (i32, i32) {
    %c0_i32 = arith.constant 0 : i32
    %c0_i32_0 = arith.constant 0 : i32
    return %arg0, %c0_i32 : i32, i32
  }
}

</mosaic_0001>

<sc_bundles>
// kernel: kernel.4.cloned.1.call-start
scs
__scs_entry_jumppad:
0x0: {  	(pc) =	sbr.rel $0x88, $3  }
0x1: {  	(tag) =	ssettag $0x0;
	lr =	simm.s32 $0x1  }
0x2: {  	[smem:$0x3F97] =	sst lr;
	_ =	strace $0xD0000000  }
0x3: {  	_ = 	snop  }
0x4: {  	_ = 	snop  }
0x5: {  	_ = 	snop  }
0x6: {  	_ = 	snop  }
0x7: {  	_ = 	snop  }
__scs_overlays_trampoline_lowered:
0x8: {  	[smem:$0x3FA6] =	sst s0  }
0x9: {  	[smem:$0x3FA7] =	sst s1  }
0xa: {  	[smem:$0x3FA8] =	sst s2  }
0xb: {  	[smem:$0x3FA9] =	sst s3  }
0xc: {  	[smem:$0x3FAA] =	sst s4  }
0xd: {  	[smem:$0x3FAB] =	sst s5  }
0xe: {  	[smem:$0x3FAC] =	sst s6  }
0xf: {  	[smem:$0x3FAD] =	sst s7  }
0x10: {  	[smem:$0x3FAE] =	sst s8  }
0x11: {  	[smem:$0x3FAF] =	sst s9;
	s0 =	simm.s32 @!p0 $0x0  }
0x12: {  	s1 =	sld [smem:$0x3F95];
	s0 =	simm.s32 @p0 $0x1  }
0x13: {  	[smem:$0x3FB0] =	sst s0;
	s0 =	simm.s32 @!p1 $0x0  }
0x14: {  	s2 =	sld [smem:$0x3F94];
	s0 =	simm.s32 @p1 $0x1  }
0x15: {  	[smem:$0x3FB1] =	sst s0;
	s0 =	simm.s32 @!p2 $0x0  }
0x16: {  	s3 =	sld [smem:$0x3FDB];
	s0 =	simm.s32 @p2 $0x1  }
0x17: {  	s4 =	simm.s32 $0x1BF5;
	[smem:$0x3FB3] =	sst s0  }
0x18: {  	s0 =	sld [smem:$0x3F96];
	_ =	swait.ge [sflag:s4], $0x0  }
0x19: {  	s7 =	sld [smem:$0x3F97]  }
0x1a: {  	s8 =	sadd.s32 $0xFFFFE003, lr  }
0x1b: {  	s9 =	sadd.s32 $0xFFFFFEF7, lr;
	s5 =	simm.s32 $0xFFFFFFFF;
	p2 =	slt.u32 s8, $0xFFFFF086  }
0x1c: {  	p1 =	slt.u32 s9, $0xF7A;
	s5 =	simm.s32 @!p2 $0x0  }
0x1d: {  	s5 =	simm.s32 @p1 $0x1;
	p0 =	seq.s32 s7, s2  }
0x1e: {  	s7 =	smul.u32 @!p0 $0xF7A, s2;
	p2 =	seq.s32 @!p0 s5, $0x0  }
0x1f: {  	s9 =	smul.u32 $0xF7A, s1;
	s8 =	simm.s32 @!p0 $0x1BF5;
	p2 =	por !p2, p0  }
0x20: {  	[sflag:s8] =	ssyncset.s32 @!p0 $0xFFFFF086;
	s6 =	sadd.s32 @!p0 s3, s7;
	s7 =	simm.s32 @!p0 $0x108  }
0x21: {  	s3 =	sadd.s32 s3, s9;
	s6 =	sadd.s32 @!p0 $0x88, s6;
	s7 =	simm.s32 @p2 $0x1082  }
0x22: {  	[simem:s7], [sflag:s8] =	dma.local @!p0 [hbm:s6], $0xF7A  }
0x23: {  	s9 =	sor.u32 $0xD0000000, s2;
	s6 =	simm.s32 $0x108;
	_ =	swait.ge @!p0 [sflag:s8], $0x0  }
0x24: {  	s3 =	sadd.s32 $0x88, s3;
	s6 =	simm.s32 @!p1 $0x1082;
	[sflag:s4] =	ssyncset.s32 $0xFFFFF086  }
0x25: {  	[simem:s6], [sflag:s4] =	dma.local [hbm:s3], $0xF7A  }
0x26: {  	[smem:$0x3F97] =	sst s1;
	(tag) =	ssettag s2;
	_ =	strace s9  }
0x27: {  	s1 =	sld [smem:$0x3FA7]  }
0x28: {  	s2 =	sld [smem:$0x3FA8]  }
0x29: {  	s4 =	sld [smem:$0x3FAA]  }
0x2a: {  	p0 =	seq.s32 s5, $0x0;
	s5 =	sld [smem:$0x3FAB]  }
0x2b: {  	s6 =	sld [smem:$0x3FAC]  }
0x2c: {  	s7 =	sld [smem:$0x3FAD]  }
0x2d: {  	s3 =	simm.s32 $0x108;
	s8 =	sld [smem:$0x3FAE]  }
0x2e: {  	s3 =	simm.s32 @!p0 $0x1082;
	s9 =	sld [smem:$0x3FAF]  }
0x2f: {  	lr =	sadd.s32 s0, s3;
	s0 =	sld [smem:$0x3FA6]  }
0x30: {  	s3 =	sld [smem:$0x3FA9]  }
0x31: {  	[smem:$0x3FB2] =	sst s10  }
0x32: {  	s10 =	sld [smem:$0x3FB0];
	_ =	sdelay $0x3  }
0x33: {  	p0 =	seq.s32 s10, $0x1;
	s10 =	sld [smem:$0x3FB2];
	_ =	sdelay $0x3  }
0x34: {  	[smem:$0x3FB2] =	sst s10  }
0x35: {  	s10 =	sld [smem:$0x3FB1];
	_ =	sdelay $0x3  }
0x36: {  	p1 =	seq.s32 s10, $0x1;
	s10 =	sld [smem:$0x3FB2];
	_ =	sdelay $0x3  }
0x37: {  	[smem:$0x3FB2] =	sst s10  }
0x38: {  	s10 =	sld [smem:$0x3FB3]  }
0x39: {  	_ = 	snop;
	(pc) =	sbr.ind lr, $3  }
0x3a: {  	_ = 	snop  }
0x3b: {  	_ = 	snop  }
0x3c: {  	p2 =	seq.s32 s10, $0x1;
	s10 =	sld [smem:$0x3FB2]  }
0x3d: {  	_ =	shalt  }
0x3e: {  	_ =	shalt  }
0x3f: {  	_ =	shalt  }
0x40: {  	_ =	shalt  }
0x41: {  	_ =	shalt  }
0x42: {  	_ =	shalt  }
0x43: {  	_ =	shalt  }
0x44: {  	_ =	shalt  }
0x45: {  	_ =	shalt  }
0x46: {  	_ =	shalt  }
0x47: {  	_ =	shalt  }
0x48: {  	_ =	shalt  }
0x49: {  	_ =	shalt  }
0x4a: {  	_ =	shalt  }
0x4b: {  	_ =	shalt  }
0x4c: {  	_ =	shalt  }
0x4d: {  	_ =	shalt  }
0x4e: {  	_ =	shalt  }
0x4f: {  	_ =	shalt  }
0x50: {  	_ =	shalt  }
0x51: {  	_ =	shalt  }
0x52: {  	_ =	shalt  }
0x53: {  	_ =	shalt  }
0x54: {  	_ =	shalt  }
0x55: {  	_ =	shalt  }
0x56: {  	_ =	shalt  }
0x57: {  	_ =	shalt  }
0x58: {  	_ =	shalt  }
0x59: {  	_ =	shalt  }
0x5a: {  	_ =	shalt  }
0x5b: {  	_ =	shalt  }
0x5c: {  	_ =	shalt  }
0x5d: {  	_ =	shalt  }
0x5e: {  	_ =	shalt  }
0x5f: {  	_ =	shalt  }
0x60: {  	_ =	shalt  }
0x61: {  	_ =	shalt  }
0x62: {  	_ =	shalt  }
0x63: {  	_ =	shalt  }
0x64: {  	_ =	shalt  }
0x65: {  	_ =	shalt  }
0x66: {  	_ =	shalt  }
0x67: {  	_ =	shalt  }
0x68: {  	_ =	shalt  }
0x69: {  	_ =	shalt  }
0x6a: {  	_ =	shalt  }
0x6b: {  	_ =	shalt  }
0x6c: {  	_ =	shalt  }
0x6d: {  	_ =	shalt  }
0x6e: {  	_ =	shalt  }
0x6f: {  	_ =	shalt  }
0x70: {  	_ =	shalt  }
0x71: {  	_ =	shalt  }
0x72: {  	_ =	shalt  }
0x73: {  	_ =	shalt  }
0x74: {  	_ =	shalt  }
0x75: {  	_ =	shalt  }
0x76: {  	_ =	shalt  }
0x77: {  	_ =	shalt  }
0x78: {  	_ =	shalt  }
0x79: {  	_ =	shalt  }
0x7a: {  	_ =	shalt  }
0x7b: {  	_ =	shalt  }
0x7c: {  	_ =	shalt  }
0x7d: {  	_ =	shalt  }
0x7e: {  	_ =	shalt  }
0x7f: {  	_ =	shalt  }
0x80: {  	_ =	shalt  }
0x81: {  	_ =	shalt  }
0x82: {  	_ =	shalt  }
0x83: {  	_ =	shalt  }
0x84: {  	_ =	shalt  }
0x85: {  	_ =	shalt  }
0x86: {  	_ =	shalt  }
0x87: {  	_ =	shalt  }
.Lfunc_end0:
.L_simem_size_0:
called_computation_lowered:
.L_overlay_start_0:
0x88: {  	s2 =	sld [smem:$0x3FD9]  }
0x89: {  	s3 =	sld [smem:$0x3FFE];
	_ =	sdelay $0x1  }
0x8a: {  	s1 =	srdreg.scid  }
0x8b: {  	s0 =	sand.u32 $0x1, s1  }
0x8c: {  	s17 =	sshll.u32 s0, $0xA;
	s2 =	sadd.s32 s3, s2  }
0x8d: {  	s2 =	sadd.s32 s2, s17  }
0x8e: {  	[smem:$0x3FBE] =	sst s2  }
0x8f: {  	_ = 	snop  }
0x90: {  	s2 =	sld [smem:$0x3FC8]  }
0x91: {  	s18 =	sld [smem:$0x3FD0];
	(tm) =	ssettm $0x1  }
0x92: {  	s4 =	sld [smem:$0x3FFB];
	_ =	sdelay $0x3  }
0x93: {  	_ =	strace s4  }
0x94: {  	s4 =	sld [smem:$0x3FFC];
	_ =	sdelay $0x3  }
0x95: {  	_ =	strace s4  }
0x96: {  	s4 =	sld [smem:$0x3FFD];
	_ =	sdelay $0x3  }
0x97: {  	_ =	strace s4  }
0x98: {  	_ =	strace $0x8FFFFFFF  }
0x99: {  	s19 =	sld [smem:$0x3FDB];
	_ =	sdelay $0x1  }
0x9a: {  	s5 =	simm.s32 $_scs_section_size  }
0x9b: {  	s6 =	simm.s32 $_size__tile_overlayer_lowered;
	s7 =	simm.s32 $_tile_overlayer_lowered  }
0x9c: {  	s22 =	simm.s32 $0x1BFF;
	s21 =	sshll.u32 s7, $0x1;
	s4 =	sadd.s32 s5, s19  }
0x9d: {  	s8 =	simm.s32 $0x0;
	s20 =	sshll.u32 s6, $0x1;
	s6 =	sadd.s32 s21, s4  }
0x9e: {  	[timem:s8], [sflag:s22] =	dma.local [hbm:s6], s20  }
0x9f: {  	_ =	swait.ge [sflag:s22], s20  }
0xa0: {  	s5 =	ssub.s32 $0x0, s20;
	[sflag:s22] =	ssyncset.done $0x0  }
0xa1: {  	[sflag:s22] =	ssyncadd.s32 s5;
	_ =	sdelay $0x1  }
0xa2: {  	s23 =	simm.s32 $0x1B8B  }
0xa3: {  	_ =	swait.ge [sflag:s23], $0x1  }
0xa4: {  	[sflag:s23] =	ssyncset.done $0x0  }
0xa5: {  	s25 =	simm.s32 $0x1B8E;
	s24 =	sld [smem:$0x3FFE];
	[sflag:s23] =	ssyncadd.s32 $0xFFFFFFFF  }
0xa6: {  	s26 =	simm.s32 $execute0_lowered;
	[smem:$0x3FD2] =	sst s25  }
0xa7: {  	s6 =	sshll.u32 s26, $0x1;
	_ =	strace $0x80000046;
	[dreg:$0x1] =	wrdreg $0xFFFFFFFF  }
0xa8: {  	s28 =	simm.s32 $_size_execute0_lowered;
	s4 =	sadd.s32 s4, s6;
	[dreg:$0x0] =	wrdreg $0x0  }
0xa9: {  	s6 =	sshll.u32 s28, $0x1;
	[dreg:$0x2] =	wrdreg s4  }
0xaa: {  	[dreg:$0x3] =	wrdreg s6  }
0xab: {  	[dreg:$0x4] =	wrdreg $0xC0  }
0xac: {  	_ =	task [dreg:s8], $0x5FFFF  }
0xad: {  	[dreg:$0x1] =	wrdreg $0xFFFFFFFF  }
0xae: {  	[dreg:$0x0] =	wrdreg $0x60  }
0xaf: {  	[dreg:$0x2] =	wrdreg s24  }
0xb0: {  	[dreg:$0x3] =	wrdreg s2  }
0xb1: {  	[dreg:$0x4] =	wrdreg s18  }
0xb2: {  	[dreg:$0x5] =	wrdreg $0x9  }
0xb3: {  	_ =	task.clear_ibuf [dreg:s8], $0x6FFFF;
	_ =	strace $0x90000046  }
0xb4: {  	s29 =	simm.s32 $0x9;
	_ =	strace $0x80000048  }
0xb5: {  	_ =	swait.ge [sflag:s29], $0x1  }
0xb6: {  	[sflag:s29] =	ssyncadd.s32 $0xFFFFFFFF  }
0xb7: {  	_ =	strace $0x90000048  }
0xb8: {  	_ =	sfence  }
0xb9: {  	s30 =	sld [smem:$0x0];
	_ =	sdelay $0x2  }
0xba: {  	s31 =	sshll.u32 s1, $0xD;
	s1 =	sshrl.u32 s1, $0x2  }
0xbb: {  	s3 =	sand.u32 $0x4000, s31;
	s1 =	sadd.s32 s1, s30  }
0xbc: {  	s0 =	sor.u32 s3, s0;
	s1 =	sshll.u32 s1, $0x11  }
0xbd: {  	s0 =	sor.u32 s1, s0  }
0xbe: {  	s0 =	sadd.s32 $0x8F2B, s0  }
0xbf: {  	[sflag:s0] =	ssyncadd.remote.s32 $0x1  }
0xc0: {  	_ =	sfence.sel $0xFFFF  }
0xc1: {  	[dreg:$0x0] =	wrdreg $0xFFFFFFFF;
	(pc) =	sbr.abs _section_cstart, $3  }
0xc2: {  	[dreg:$0x1] =	wrdreg $0xFFFFFFFF  }
0xc3: {  	_ =	task.clear_ibuf [dreg:s8], $0x2FFFF;
	_ =	strace $0x9FFFFFFF  }
0xc4: {  	(tm) =	ssettm $0x7FFFFFFF  }
0xc5: {  	_ =	shalt  }
tec
execute0_lowered:
.L_overlay_start_1:
0x0: {  	(tag) =	ssettag $0x1  }
0x1: {  	s5 =	rddreg [dreg:$0x0]  }
0x2: {  	s1 =	srdreg.scid;
	s3 =	rddreg [dreg:$0x1]  }
0x3: {  	s0 =	stileid.u32;
	s8 =	rddreg [dreg:$0x2];
	s6 =	sand.u32 $0x1, s1  }
0x4: {  	s2 =	simm.s32 $0x0;
	s4 =	sshll.u32 s0, $0xB;
	s7 =	sshll.u32 s6, $0xA  }
0x5: {  	[smem:$0x7FF] =	sst s2;
	s9 =	sor.u32 s7, s4  }
0x6: {  	s1 =	rddreg [dreg:$0x3];
	_ =	strace $0x80000047;
	s4 =	sshrl.u32 s9, $0x3  }
0x7: {  	s10 =	ssub.s32 $0x2, s6;
	s4 =	sadd.s32 s3, s4;
	s3 =	simm.s32 $0x2  }
0x8: {  	[tilespmem:s2], [sflag:$0x2] =	stream.linear.gather [hbm4b:s4+s2], $0x400, $0x38;
	[tilespmem:$0x10400] =	vst v63  }
0x9: {  	s5 =	sadd.s32 $0x1400, s5;
	s11 =	sshrl.u32 s10, $0x1;
	_ =	swait.ge [sflag:s3], $0x400  }
0xa: {  	s6 =	simm.s32 $0x400;
	s10 =	ssub.s32 s10, s11;
	[sflag:s3] =	ssyncset.done $0x0  }
0xb: {  	s7 =	simm.s32 $0x1;
	s31 =	smax.u32 s10, $0x1;
	[sflag:s3] =	ssyncadd.s32 $0xFFFFFC00  }
0xc: {  	[tilespmem:s6], [sflag:$0x1] =	stream.indirect.gather [hbm4b:s5+s6], $0x40, s2, s6, $0xb8;
	[tilespmem:$0x10400] =	vst v63  }
0xd: {  	p0 =	sne.s32 s31, $0x1;
	_ =	swait.ge [sflag:s7], $0x10000  }
.Ltmp0:
0xe: {  	s9 =	sshll.u32 s9, $0x3;
	[sflag:s7] =	ssyncset.done $0x0;
	(pc) =	sbr.rel @!p0 .LBB2_2-.Ltmp0, $4  }
0xf: {  	s8 =	sadd.s32 s8, s9;
	[sflag:s7] =	ssyncadd.s32 $0xFFFF0000  }
0x10: {  	[hbm4b:s8+s2] =	stream.linear.scatter [tilespmem:s6], [sflag:$0x2], $0x10000, $0x38;
	[tilespmem:$0x10400] =	vst v63  }
0x11: {  	_ =	swait.ge [sflag:s3], $0x10000  }
0x12: {  	s9 =	sadd.s32 $0xFFFFFFFF, s31;
	[sflag:s3] =	ssyncset.done $0x0  }
.LBB2_1:
0x13: {  	p0 =	sne.s32 s9, $0x1;
	s9 =	sadd.s32 $0xFFFFFFFF, s9;
	[sflag:s3] =	ssyncadd.s32 $0xFFFF0000  }
0x14: {  	[tilespmem:s2], [sflag:$0x2] =	stream.linear.gather [hbm4b:s4+s2], $0x400, $0x38;
	[tilespmem:$0x10400] =	vst v63  }
0x15: {  	_ =	swait.ge [sflag:s3], $0x400  }
0x16: {  	[sflag:s3] =	ssyncset.done $0x0  }
0x17: {  	[sflag:s3] =	ssyncadd.s32 $0xFFFFFC00  }
0x18: {  	[tilespmem:s6], [sflag:$0x1] =	stream.indirect.gather [hbm4b:s5+s6], $0x40, s2, s6, $0xb8;
	[tilespmem:$0x10400] =	vst v63  }
0x19: {  	_ =	swait.ge [sflag:s7], $0x10000  }
.Ltmp1:
0x1a: {  	[sflag:s7] =	ssyncset.done $0x0;
	(pc) =	sbr.rel @p0 .LBB2_1-.Ltmp1, $4  }
0x1b: {  	[sflag:s7] =	ssyncadd.s32 $0xFFFF0000  }
0x1c: {  	[hbm4b:s8+s2] =	stream.linear.scatter [tilespmem:s6], [sflag:$0x2], $0x10000, $0x38;
	[tilespmem:$0x10400] =	vst v63  }
0x1d: {  	_ =	swait.ge [sflag:s3], $0x10000  }
0x1e: {  	[sflag:s3] =	ssyncset.done $0x0  }
.LBB2_2:
0x1f: {  	[sflag:s3] =	ssyncadd.s32 $0xFFFF0000  }
0x20: {  	_ =	sfence.sel $0x180000  }
0x21: {  	[bflag:$0x0] =	sbarrier.arrive $0xFFFF  }
0x22: {  	p0 =	sne.s32 s0, $0x0;
	_ =	strace $0x90000047  }
0x23: {  	s0 =	sadd.s32 @!p0 $0x100000, s1;
	[bflag:$0x2] =	sbarrier.arrive $0xFFFF  }
0x24: {  	[sflag:s0] =	ssyncadd.tile.s32 @!p0 $0x1;
	_ =	shalt  }
.Lfunc_end2:
_tile_overlayer_lowered:
.L_overlay_start_2:
0x25: {  	(tag) =	ssettag $0x2  }
0x26: {  	s0 =	rddreg [dreg:$0x0];
	s2 =	stileid.u32  }
0x27: {  	s1 =	rddreg [dreg:$0x1];
	p0 =	sne.s32 s2, $0x0  }
0x28: {  	s3 =	rddreg [dreg:$0x2];
	[bflag:$0x3] =	sbarrier.arrive $0xFFFF;
	s2 =	simm.s32 @!p0 $0x1C02  }
0x29: {  	[timem:s3], [sflag:s2] =	dma.local @!p0 [hbm:s0], s1  }
0x2a: {  	s0 =	simm.s32 @!p0 $0x2  }
0x2b: {  	_ =	swait.ge @!p0 [sflag:s0], s1  }
0x2c: {  	s1 =	ssub.s32 @!p0 $0x0, s1;
	[sflag:s0] =	ssyncset.done @!p0 $0x0  }
0x2d: {  	[sflag:s0] =	ssyncadd.s32 @!p0 s1  }
0x2e: {  	[bflag:$0x3] =	sbarrier.arrive $0xFFFF  }
0x2f: {  	_ =	shalt  }

</sc_bundles>
